<compile_context>
chip_gen: v7x
topology: tpu7x:2x2x1
jax: 0.10.2.dev20260603
libtpu: 0.0.44.dev20260713+nightly
codegen_flags: <defaults>
</compile_context>

<pallas_src>
import functools

import jax
import jax.numpy as jnp
from jax import lax
from jax.experimental import pallas as pl
from jax.experimental.pallas import tpu as pltpu
from jax.experimental.pallas import tpu_sc as plsc

_INFO = plsc.get_sparse_core_info()
_NC = _INFO.num_cores
_NS = _INFO.num_subcores
_NW = _NC * _NS
_L = _INFO.num_lanes

_CHUNK = 1600
_NBUF = 2


def _gather_body(n_chunks, x_hbm, table_hbm, out_hbm,
                 idx0, idx1, rows0, rows1, isem0, isem1, wsem0, wsem1, gsem):
    idx_v = (idx0, idx1)
    rows_v = (rows0, rows1)
    isem = (isem0, isem1)
    wsem = (wsem0, wsem1)

    wid = lax.axis_index("s") * _NC + lax.axis_index("c")
    base = wid * (n_chunks * _CHUNK)

    def idx_copy(c, b):
        return pltpu.make_async_copy(
            x_hbm.at[pl.ds(base + c * _CHUNK, _CHUNK)], idx_v[b], isem[b])

    def wr_copy(c, b):
        return pltpu.make_async_copy(
            rows_v[b], out_hbm.at[pl.ds(base + c * _CHUNK, _CHUNK)], wsem[b])

    for b in range(_NBUF):
        idx_copy(b, b).start()

    def outer(c0, carry):
        for b in range(_NBUF):
            c = c0 * _NBUF + b
            idx_copy(c, b).wait()

            @pl.when(c0 > 0)
            def _():
                wr_copy(c - _NBUF, b).wait()

            def g_body(j, carry2):
                vec = idx_v[b][pl.ds(j * _L, _L)] + 1
                pltpu.make_async_copy(
                    table_hbm.at[vec], rows_v[b].at[pl.ds(j * _L, _L)],
                    gsem).start()
                return carry2

            lax.fori_loop(0, _CHUNK // _L, g_body, 0, unroll=4)
            pltpu.make_async_copy(
                table_hbm.at[idx_v[b]], rows_v[b], gsem).wait()
            wr_copy(c, b).start()

            @pl.when(c0 < n_chunks // _NBUF - 1)
            def _():
                idx_copy(c + _NBUF, b).start()
        return carry

    lax.fori_loop(0, n_chunks // _NBUF, outer, 0)

    for b in range(_NBUF):
        wr_copy(n_chunks - _NBUF + b, b).wait()


def kernel(x, table):
    b, h = x.shape
    n = b * h
    d = table.shape[1]
    assert n % (_NW * _CHUNK * _NBUF) == 0
    n_chunks = n // (_NW * _CHUNK)

    mesh = plsc.VectorSubcoreMesh(core_axis_name="c", subcore_axis_name="s")
    k = functools.partial(
        pl.kernel,
        mesh=mesh,
        out_type=jax.ShapeDtypeStruct((n, d), jnp.float32),
        scratch_types=[
            pltpu.VMEM((_CHUNK,), jnp.int32),
            pltpu.VMEM((_CHUNK,), jnp.int32),
            pltpu.VMEM((_CHUNK, d), jnp.float32),
            pltpu.VMEM((_CHUNK, d), jnp.float32),
            pltpu.SemaphoreType.DMA,
            pltpu.SemaphoreType.DMA,
            pltpu.SemaphoreType.DMA,
            pltpu.SemaphoreType.DMA,
            pltpu.SemaphoreType.DMA,
        ],
        compiler_params=pltpu.CompilerParams(use_tc_tiling_on_sc=False),
    )(functools.partial(_gather_body, n_chunks))

    out = k(x.reshape(n), table)
    return out.reshape(b, h, d)

# --- scband reference (transcript-rebuilt; emitter-appended) ---
"""Pipeline reference for scband-padded-embed-36928128811652 (READ-ONLY COPY).

The authoritative reference and input builder live on the scoring server;
editing this copy changes nothing except your own understanding.
"""

import jax, jax.numpy as jnp
import numpy as np

NUM_EMBEDDINGS = 1000000
OUTPUT_DIM = 32
BATCH = 16384
HIST_LEN = 200


def setup_inputs(seed: int = 0) -> dict:
    key = jax.random.key(seed)
    k1, k2 = jax.random.split(key)
    # indices in [0, num_embeddings); forward allows [-1, num_embeddings)
    x = jax.random.randint(k1, (BATCH, HIST_LEN), 0, NUM_EMBEDDINGS, dtype=jnp.int32)
    # embedding table has num_embeddings + 1 rows; row 0 is the padding row (zeros)
    table = jax.random.normal(k2, (NUM_EMBEDDINGS + 1, OUTPUT_DIM), dtype=jnp.float32) * 0.02
    table = table.at[0].set(0.0)
    return {"x": x, "table": table}


def reference(x, table):
    # PaddedEmbed.forward with onnx=False, dropout=0 (inference/no-op):
    #   assert bounds (indices generated in-range), shift by +1, lookup.
    idx = (x + 1).astype(jnp.int32)
    out = jnp.take(table, idx, axis=0)
    return out

if __name__ == "__main__":
    import jax
    _d = setup_inputs()
    print(jax.jit(kernel)(*tuple(_d.values())))

</pallas_src>

<mosaic_0001>
#map = affine_map<(d0, d1) -> (0)>
#map1 = affine_map<(d0, d1) -> (0, 0)>
module attributes {stable_mosaic.version = 14 : i64} {
  func.func @_gather_body(%arg0: i32, %arg1: i32, %arg2: memref<3276800xi32, #tpu.memory_space<hbm>>, %arg3: memref<1000001x32xf32, #tpu.memory_space<hbm>>, %arg4: memref<3276800x32xf32, #tpu.memory_space<hbm>>, %arg5: memref<1600xi32, #tpu.memory_space<vmem>>, %arg6: memref<1600xi32, #tpu.memory_space<vmem>>, %arg7: memref<1600x32xf32, #tpu.memory_space<vmem>>, %arg8: memref<1600x32xf32, #tpu.memory_space<vmem>>, %arg9: memref<!tpu.dma_semaphore, #tpu.memory_space<semaphore_mem>>, %arg10: memref<!tpu.dma_semaphore, #tpu.memory_space<semaphore_mem>>, %arg11: memref<!tpu.dma_semaphore, #tpu.memory_space<semaphore_mem>>, %arg12: memref<!tpu.dma_semaphore, #tpu.memory_space<semaphore_mem>>, %arg13: memref<!tpu.dma_semaphore, #tpu.memory_space<semaphore_mem>>) attributes {dimension_semantics = [#tpu.dimension_semantics<core_parallel>, #tpu.dimension_semantics<subcore_parallel>], iteration_bounds = array<i64: 2, 16>, scalar_prefetch = 0 : i64, scratch_operands = 9 : i64, tpu.core_type = #tpu.core_type<sc_vector_subcore>, window_params = [{transform_indices = #map}, {transform_indices = #map1}, {transform_indices = #map1}]} {
    %mul3A = arith.constant 2 : i32
    %mul3A_0 = arith.muli %arg1, %mul3A : i32
    %add3A = arith.addi %mul3A_0, %arg0 : i32
    %mul3A_1 = arith.constant 102400 : i32
    %mul3A_2 = arith.muli %add3A, %mul3A_1 : i32
    %add3A_3 = arith.constant 0 : i32
    %add3A_4 = arith.addi %mul3A_2, %add3A_3 : i32
    %dma_start3A = tpu.memref_slice %arg2[%add3A_4] : memref<3276800xi32, #tpu.memory_space<hbm>> -> memref<1600xi32, #tpu.memory_space<hbm>>
    %dma_start3A_5 = tpu.memref_slice %arg2[%add3A_4] : memref<3276800xi32, #tpu.memory_space<hbm>> -> memref<1600xi32, #tpu.memory_space<hbm>>
    tpu.enqueue_dma source(%dma_start3A_5 : memref<1600xi32, #tpu.memory_space<hbm>>) target(%arg5 : memref<1600xi32, #tpu.memory_space<vmem>>) target_semaphore(%arg9 : memref<!tpu.dma_semaphore, #tpu.memory_space<semaphore_mem>>)
    %add3A_6 = arith.constant 1600 : i32
    %add3A_7 = arith.addi %mul3A_2, %add3A_6 : i32
    %dma_start3A_8 = tpu.memref_slice %arg2[%add3A_7] : memref<3276800xi32, #tpu.memory_space<hbm>> -> memref<1600xi32, #tpu.memory_space<hbm>>
    %dma_start3A_9 = tpu.memref_slice %arg2[%add3A_7] : memref<3276800xi32, #tpu.memory_space<hbm>> -> memref<1600xi32, #tpu.memory_space<hbm>>
    tpu.enqueue_dma source(%dma_start3A_9 : memref<1600xi32, #tpu.memory_space<hbm>>) target(%arg6 : memref<1600xi32, #tpu.memory_space<vmem>>) target_semaphore(%arg10 : memref<!tpu.dma_semaphore, #tpu.memory_space<semaphore_mem>>)
    %scan3A = arith.constant 0 : i32
    %scan3A_10 = arith.constant 0 : i32
    %scan3A_11 = arith.constant 32 : i32
    %scan3A_12 = arith.addi %scan3A_10, %scan3A_11 : i32
    %scan3A_13 = arith.constant 1 : i32
    scf.for %scan3A_26 = %scan3A_10 to %scan3A_12 step %scan3A_13  : i32 {
      %mul3A_27 = arith.constant 2 : i32
      %mul3A_28 = arith.muli %scan3A_26, %mul3A_27 : i32
      %add3A_29 = arith.constant 0 : i32
      %add3A_30 = arith.addi %mul3A_28, %add3A_29 : i32
      %mul3A_31 = arith.constant 1600 : i32
      %mul3A_32 = arith.muli %add3A_30, %mul3A_31 : i32
      %add3A_33 = arith.addi %mul3A_2, %mul3A_32 : i32
      %dma_wait3A_34 = tpu.memref_slice %arg2[%add3A_33] : memref<3276800xi32, #tpu.memory_space<hbm>> -> memref<1600xi32, #tpu.memory_space<hbm>>
      %dma_wait3A_35 = tpu.memref_slice %arg2[%add3A_33] : memref<3276800xi32, #tpu.memory_space<hbm>> -> memref<1600xi32, #tpu.memory_space<hbm>>
      tpu.wait_dma2 semaphore(%arg9 : memref<!tpu.dma_semaphore, #tpu.memory_space<semaphore_mem>>) src(%dma_wait3A_35 : memref<1600xi32, #tpu.memory_space<hbm>>) dst(%arg5 : memref<1600xi32, #tpu.memory_space<vmem>>)
      %gt3A = arith.constant 0 : i32
      %gt3A_36 = arith.cmpi sgt, %scan3A_26, %gt3A : i32
      %convert_element_type3A = arith.extui %gt3A_36 : i1 to i32
      %cond3A = arith.constant 0 : i32
      %cond3A_37 = arith.cmpi ne, %convert_element_type3A, %cond3A : i32
      scf.if %cond3A_37 {
        %sub3A = arith.constant 2 : i32
        %sub3A_93 = arith.subi %add3A_30, %sub3A : i32
        %mul3A_94 = arith.constant 1600 : i32
        %mul3A_95 = arith.muli %sub3A_93, %mul3A_94 : i32
        %add3A_96 = arith.addi %mul3A_2, %mul3A_95 : i32
        %dma_wait3A_97 = arith.constant 0 : i32
        %dma_wait3A_98 = tpu.memref_slice %arg4[%add3A_96, %dma_wait3A_97] : memref<3276800x32xf32, #tpu.memory_space<hbm>> -> memref<1600x32xf32, #tpu.memory_space<hbm>>
        %dma_wait3A_99 = arith.constant 0 : i32
        %dma_wait3A_100 = tpu.memref_slice %arg4[%add3A_96, %dma_wait3A_99] : memref<3276800x32xf32, #tpu.memory_space<hbm>> -> memref<1600x32xf32, #tpu.memory_space<hbm>>
        tpu.wait_dma2 semaphore(%arg11 : memref<!tpu.dma_semaphore, #tpu.memory_space<semaphore_mem>>) src(%arg7 : memref<1600x32xf32, #tpu.memory_space<vmem>>) dst(%dma_wait3A_100 : memref<1600x32xf32, #tpu.memory_space<hbm>>)
      } else {
      }
      %scan3A_38 = arith.constant 0 : i32
      %scan3A_39 = arith.constant 0 : i32
      %scan3A_40 = arith.constant 100 : i32
      %scan3A_41 = arith.addi %scan3A_39, %scan3A_40 : i32
      %scan3A_42 = arith.constant 4 : i32
      scf.for %scan3A_93 = %scan3A_39 to %scan3A_41 step %scan3A_42  : i32 {
        %mul3A_94 = arith.constant 16 : i32
        %mul3A_95 = arith.muli %scan3A_93, %mul3A_94 : i32
        %get3A = arith.index_cast %mul3A_95 : i32 to index
        %get3A_96 = tpu.vector_load %arg5[%get3A] {strides = array<i32>} : memref<1600xi32, #tpu.memory_space<vmem>>, vector<16xi32>,
        %get3A_97 = vector.shape_cast %get3A_96 : vector<16xi32> to vector<16xi32>
        %add3A_98 = arith.constant 1 : i32
        %add3A_99 = vector.broadcast %add3A_98 : i32 to vector<16xi32>
        %add3A_100 = arith.addi %get3A_97, %add3A_99 : vector<16xi32>
        %mul3A_101 = arith.constant 16 : i32
        %mul3A_102 = arith.muli %scan3A_93, %mul3A_101 : i32
        %dma_start3A_103 = arith.constant 0 : i32
        %dma_start3A_104 = tpu.memref_slice %arg7[%mul3A_102, %dma_start3A_103] : memref<1600x32xf32, #tpu.memory_space<vmem>> -> memref<16x32xf32, #tpu.memory_space<vmem>>
        %dma_start3A_105 = arith.constant 0 : i32
        %dma_start3A_106 = arith.constant 0 : i32
        %dma_start3A_107 = tpu.memref_slice %arg3[%dma_start3A_105, %dma_start3A_106] : memref<1000001x32xf32, #tpu.memory_space<hbm>> -> memref<1000001x32xf32, #tpu.memory_space<hbm>>
        tpu.enqueue_indirect_dma source(%dma_start3A_107 : memref<1000001x32xf32, #tpu.memory_space<hbm>>) target(%dma_start3A_104 : memref<16x32xf32, #tpu.memory_space<vmem>>) offsets(%add3A_100 : vector<16xi32>) semaphore(%arg13 : memref<!tpu.dma_semaphore, #tpu.memory_space<semaphore_mem>>)
        %scan3A_108 = arith.constant 1 : i32
        %scan3A_109 = arith.addi %scan3A_93, %scan3A_108 : i32
        %mul3A_110 = arith.constant 16 : i32
        %mul3A_111 = arith.muli %scan3A_109, %mul3A_110 : i32
        %get3A_112 = arith.index_cast %mul3A_111 : i32 to index
        %get3A_113 = tpu.vector_load %arg5[%get3A_112] {strides = array<i32>} : memref<1600xi32, #tpu.memory_space<vmem>>, vector<16xi32>,
        %get3A_114 = vector.shape_cast %get3A_113 : vector<16xi32> to vector<16xi32>
        %add3A_115 = arith.constant 1 : i32
        %add3A_116 = vector.broadcast %add3A_115 : i32 to vector<16xi32>
        %add3A_117 = arith.addi %get3A_114, %add3A_116 : vector<16xi32>
        %mul3A_118 = arith.constant 16 : i32
        %mul3A_119 = arith.muli %scan3A_109, %mul3A_118 : i32
        %dma_start3A_120 = arith.constant 0 : i32
        %dma_start3A_121 = tpu.memref_slice %arg7[%mul3A_119, %dma_start3A_120] : memref<1600x32xf32, #tpu.memory_space<vmem>> -> memref<16x32xf32, #tpu.memory_space<vmem>>
        %dma_start3A_122 = arith.constant 0 : i32
        %dma_start3A_123 = arith.constant 0 : i32
        %dma_start3A_124 = tpu.memref_slice %arg3[%dma_start3A_122, %dma_start3A_123] : memref<1000001x32xf32, #tpu.memory_space<hbm>> -> memref<1000001x32xf32, #tpu.memory_space<hbm>>
        tpu.enqueue_indirect_dma source(%dma_start3A_124 : memref<1000001x32xf32, #tpu.memory_space<hbm>>) target(%dma_start3A_121 : memref<16x32xf32, #tpu.memory_space<vmem>>) offsets(%add3A_117 : vector<16xi32>) semaphore(%arg13 : memref<!tpu.dma_semaphore, #tpu.memory_space<semaphore_mem>>)
        %scan3A_125 = arith.constant 2 : i32
        %scan3A_126 = arith.addi %scan3A_93, %scan3A_125 : i32
        %mul3A_127 = arith.constant 16 : i32
        %mul3A_128 = arith.muli %scan3A_126, %mul3A_127 : i32
        %get3A_129 = arith.index_cast %mul3A_128 : i32 to index
        %get3A_130 = tpu.vector_load %arg5[%get3A_129] {strides = array<i32>} : memref<1600xi32, #tpu.memory_space<vmem>>, vector<16xi32>,
        %get3A_131 = vector.shape_cast %get3A_130 : vector<16xi32> to vector<16xi32>
        %add3A_132 = arith.constant 1 : i32
        %add3A_133 = vector.broadcast %add3A_132 : i32 to vector<16xi32>
        %add3A_134 = arith.addi %get3A_131, %add3A_133 : vector<16xi32>
        %mul3A_135 = arith.constant 16 : i32
        %mul3A_136 = arith.muli %scan3A_126, %mul3A_135 : i32
        %dma_start3A_137 = arith.constant 0 : i32
        %dma_start3A_138 = tpu.memref_slice %arg7[%mul3A_136, %dma_start3A_137] : memref<1600x32xf32, #tpu.memory_space<vmem>> -> memref<16x32xf32, #tpu.memory_space<vmem>>
        %dma_start3A_139 = arith.constant 0 : i32
        %dma_start3A_140 = arith.constant 0 : i32
        %dma_start3A_141 = tpu.memref_slice %arg3[%dma_start3A_139, %dma_start3A_140] : memref<1000001x32xf32, #tpu.memory_space<hbm>> -> memref<1000001x32xf32, #tpu.memory_space<hbm>>
        tpu.enqueue_indirect_dma source(%dma_start3A_141 : memref<1000001x32xf32, #tpu.memory_space<hbm>>) target(%dma_start3A_138 : memref<16x32xf32, #tpu.memory_space<vmem>>) offsets(%add3A_134 : vector<16xi32>) semaphore(%arg13 : memref<!tpu.dma_semaphore, #tpu.memory_space<semaphore_mem>>)
        %scan3A_142 = arith.constant 3 : i32
        %scan3A_143 = arith.addi %scan3A_93, %scan3A_142 : i32
        %mul3A_144 = arith.constant 16 : i32
        %mul3A_145 = arith.muli %scan3A_143, %mul3A_144 : i32
        %get3A_146 = arith.index_cast %mul3A_145 : i32 to index
        %get3A_147 = tpu.vector_load %arg5[%get3A_146] {strides = array<i32>} : memref<1600xi32, #tpu.memory_space<vmem>>, vector<16xi32>,
        %get3A_148 = vector.shape_cast %get3A_147 : vector<16xi32> to vector<16xi32>
        %add3A_149 = arith.constant 1 : i32
        %add3A_150 = vector.broadcast %add3A_149 : i32 to vector<16xi32>
        %add3A_151 = arith.addi %get3A_148, %add3A_150 : vector<16xi32>
        %mul3A_152 = arith.constant 16 : i32
        %mul3A_153 = arith.muli %scan3A_143, %mul3A_152 : i32
        %dma_start3A_154 = arith.constant 0 : i32
        %dma_start3A_155 = tpu.memref_slice %arg7[%mul3A_153, %dma_start3A_154] : memref<1600x32xf32, #tpu.memory_space<vmem>> -> memref<16x32xf32, #tpu.memory_space<vmem>>
        %dma_start3A_156 = arith.constant 0 : i32
        %dma_start3A_157 = arith.constant 0 : i32
        %dma_start3A_158 = tpu.memref_slice %arg3[%dma_start3A_156, %dma_start3A_157] : memref<1000001x32xf32, #tpu.memory_space<hbm>> -> memref<1000001x32xf32, #tpu.memory_space<hbm>>
        tpu.enqueue_indirect_dma source(%dma_start3A_158 : memref<1000001x32xf32, #tpu.memory_space<hbm>>) target(%dma_start3A_155 : memref<16x32xf32, #tpu.memory_space<vmem>>) offsets(%add3A_151 : vector<16xi32>) semaphore(%arg13 : memref<!tpu.dma_semaphore, #tpu.memory_space<semaphore_mem>>)
      }
      %scan3A_43 = arith.constant 100 : i32
      %dma_wait3A_44 = arith.constant 0 : i32
      %dma_wait3A_45 = arith.constant 0 : i32
      %dma_wait3A_46 = tpu.memref_slice %arg3[%dma_wait3A_44, %dma_wait3A_45] : memref<1000001x32xf32, #tpu.memory_space<hbm>> -> memref<1000001x32xf32, #tpu.memory_space<hbm>>
      tpu.wait_indirect_dma semaphore(%arg13 : memref<!tpu.dma_semaphore, #tpu.memory_space<semaphore_mem>>) src(%dma_wait3A_46 : memref<1000001x32xf32, #tpu.memory_space<hbm>>) dst(%arg7 : memref<1600x32xf32, #tpu.memory_space<vmem>>)
      %mul3A_47 = arith.constant 1600 : i32
      %mul3A_48 = arith.muli %add3A_30, %mul3A_47 : i32
      %add3A_49 = arith.addi %mul3A_2, %mul3A_48 : i32
      %dma_start3A_50 = arith.constant 0 : i32
      %dma_start3A_51 = tpu.memref_slice %arg4[%add3A_49, %dma_start3A_50] : memref<3276800x32xf32, #tpu.memory_space<hbm>> -> memref<1600x32xf32, #tpu.memory_space<hbm>>
      %dma_start3A_52 = arith.constant 0 : i32
      %dma_start3A_53 = tpu.memref_slice %arg4[%add3A_49, %dma_start3A_52] : memref<3276800x32xf32, #tpu.memory_space<hbm>> -> memref<1600x32xf32, #tpu.memory_space<hbm>>
      tpu.enqueue_dma source(%arg7 : memref<1600x32xf32, #tpu.memory_space<vmem>>) target(%dma_start3A_53 : memref<1600x32xf32, #tpu.memory_space<hbm>>) target_semaphore(%arg11 : memref<!tpu.dma_semaphore, #tpu.memory_space<semaphore_mem>>)
      %lt3A = arith.constant 31 : i32
      %lt3A_54 = arith.cmpi slt, %scan3A_26, %lt3A : i32
      %convert_element_type3A_55 = arith.extui %lt3A_54 : i1 to i32
      %cond3A_56 = arith.constant 0 : i32
      %cond3A_57 = arith.cmpi ne, %convert_element_type3A_55, %cond3A_56 : i32
      scf.if %cond3A_57 {
        %add3A_93 = arith.constant 2 : i32
        %add3A_94 = arith.addi %add3A_30, %add3A_93 : i32
        %mul3A_95 = arith.constant 1600 : i32
        %mul3A_96 = arith.muli %add3A_94, %mul3A_95 : i32
        %add3A_97 = arith.addi %mul3A_2, %mul3A_96 : i32
        %dma_start3A_98 = tpu.memref_slice %arg2[%add3A_97] : memref<3276800xi32, #tpu.memory_space<hbm>> -> memref<1600xi32, #tpu.memory_space<hbm>>
        %dma_start3A_99 = tpu.memref_slice %arg2[%add3A_97] : memref<3276800xi32, #tpu.memory_space<hbm>> -> memref<1600xi32, #tpu.memory_space<hbm>>
        tpu.enqueue_dma source(%dma_start3A_99 : memref<1600xi32, #tpu.memory_space<hbm>>) target(%arg5 : memref<1600xi32, #tpu.memory_space<vmem>>) target_semaphore(%arg9 : memref<!tpu.dma_semaphore, #tpu.memory_space<semaphore_mem>>)
      } else {
      }
      %mul3A_58 = arith.constant 2 : i32
      %mul3A_59 = arith.muli %scan3A_26, %mul3A_58 : i32
      %add3A_60 = arith.constant 1 : i32
      %add3A_61 = arith.addi %mul3A_59, %add3A_60 : i32
      %mul3A_62 = arith.constant 1600 : i32
      %mul3A_63 = arith.muli %add3A_61, %mul3A_62 : i32
      %add3A_64 = arith.addi %mul3A_2, %mul3A_63 : i32
      %dma_wait3A_65 = tpu.memref_slice %arg2[%add3A_64] : memref<3276800xi32, #tpu.memory_space<hbm>> -> memref<1600xi32, #tpu.memory_space<hbm>>
      %dma_wait3A_66 = tpu.memref_slice %arg2[%add3A_64] : memref<3276800xi32, #tpu.memory_space<hbm>> -> memref<1600xi32, #tpu.memory_space<hbm>>
      tpu.wait_dma2 semaphore(%arg10 : memref<!tpu.dma_semaphore, #tpu.memory_space<semaphore_mem>>) src(%dma_wait3A_66 : memref<1600xi32, #tpu.memory_space<hbm>>) dst(%arg6 : memref<1600xi32, #tpu.memory_space<vmem>>)
      %gt3A_67 = arith.constant 0 : i32
      %gt3A_68 = arith.cmpi sgt, %scan3A_26, %gt3A_67 : i32
      %convert_element_type3A_69 = arith.extui %gt3A_68 : i1 to i32
      %cond3A_70 = arith.constant 0 : i32
      %cond3A_71 = arith.cmpi ne, %convert_element_type3A_69, %cond3A_70 : i32
      scf.if %cond3A_71 {
        %sub3A = arith.constant 2 : i32
        %sub3A_93 = arith.subi %add3A_61, %sub3A : i32
        %mul3A_94 = arith.constant 1600 : i32
        %mul3A_95 = arith.muli %sub3A_93, %mul3A_94 : i32
        %add3A_96 = arith.addi %mul3A_2, %mul3A_95 : i32
        %dma_wait3A_97 = arith.constant 0 : i32
        %dma_wait3A_98 = tpu.memref_slice %arg4[%add3A_96, %dma_wait3A_97] : memref<3276800x32xf32, #tpu.memory_space<hbm>> -> memref<1600x32xf32, #tpu.memory_space<hbm>>
        %dma_wait3A_99 = arith.constant 0 : i32
        %dma_wait3A_100 = tpu.memref_slice %arg4[%add3A_96, %dma_wait3A_99] : memref<3276800x32xf32, #tpu.memory_space<hbm>> -> memref<1600x32xf32, #tpu.memory_space<hbm>>
        tpu.wait_dma2 semaphore(%arg12 : memref<!tpu.dma_semaphore, #tpu.memory_space<semaphore_mem>>) src(%arg8 : memref<1600x32xf32, #tpu.memory_space<vmem>>) dst(%dma_wait3A_100 : memref<1600x32xf32, #tpu.memory_space<hbm>>)
      } else {
      }
      %scan3A_72 = arith.constant 0 : i32
      %scan3A_73 = arith.constant 0 : i32
      %scan3A_74 = arith.constant 100 : i32
      %scan3A_75 = arith.addi %scan3A_73, %scan3A_74 : i32
      %scan3A_76 = arith.constant 4 : i32
      scf.for %scan3A_93 = %scan3A_73 to %scan3A_75 step %scan3A_76  : i32 {
        %mul3A_94 = arith.constant 16 : i32
        %mul3A_95 = arith.muli %scan3A_93, %mul3A_94 : i32
        %get3A = arith.index_cast %mul3A_95 : i32 to index
        %get3A_96 = tpu.vector_load %arg6[%get3A] {strides = array<i32>} : memref<1600xi32, #tpu.memory_space<vmem>>, vector<16xi32>,
        %get3A_97 = vector.shape_cast %get3A_96 : vector<16xi32> to vector<16xi32>
        %add3A_98 = arith.constant 1 : i32
        %add3A_99 = vector.broadcast %add3A_98 : i32 to vector<16xi32>
        %add3A_100 = arith.addi %get3A_97, %add3A_99 : vector<16xi32>
        %mul3A_101 = arith.constant 16 : i32
        %mul3A_102 = arith.muli %scan3A_93, %mul3A_101 : i32
        %dma_start3A_103 = arith.constant 0 : i32
        %dma_start3A_104 = tpu.memref_slice %arg8[%mul3A_102, %dma_start3A_103] : memref<1600x32xf32, #tpu.memory_space<vmem>> -> memref<16x32xf32, #tpu.memory_space<vmem>>
        %dma_start3A_105 = arith.constant 0 : i32
        %dma_start3A_106 = arith.constant 0 : i32
        %dma_start3A_107 = tpu.memref_slice %arg3[%dma_start3A_105, %dma_start3A_106] : memref<1000001x32xf32, #tpu.memory_space<hbm>> -> memref<1000001x32xf32, #tpu.memory_space<hbm>>
        tpu.enqueue_indirect_dma source(%dma_start3A_107 : memref<1000001x32xf32, #tpu.memory_space<hbm>>) target(%dma_start3A_104 : memref<16x32xf32, #tpu.memory_space<vmem>>) offsets(%add3A_100 : vector<16xi32>) semaphore(%arg13 : memref<!tpu.dma_semaphore, #tpu.memory_space<semaphore_mem>>)
        %scan3A_108 = arith.constant 1 : i32
        %scan3A_109 = arith.addi %scan3A_93, %scan3A_108 : i32
        %mul3A_110 = arith.constant 16 : i32
        %mul3A_111 = arith.muli %scan3A_109, %mul3A_110 : i32
        %get3A_112 = arith.index_cast %mul3A_111 : i32 to index
        %get3A_113 = tpu.vector_load %arg6[%get3A_112] {strides = array<i32>} : memref<1600xi32, #tpu.memory_space<vmem>>, vector<16xi32>,
        %get3A_114 = vector.shape_cast %get3A_113 : vector<16xi32> to vector<16xi32>
        %add3A_115 = arith.constant 1 : i32
        %add3A_116 = vector.broadcast %add3A_115 : i32 to vector<16xi32>
        %add3A_117 = arith.addi %get3A_114, %add3A_116 : vector<16xi32>
        %mul3A_118 = arith.constant 16 : i32
        %mul3A_119 = arith.muli %scan3A_109, %mul3A_118 : i32
        %dma_start3A_120 = arith.constant 0 : i32
        %dma_start3A_121 = tpu.memref_slice %arg8[%mul3A_119, %dma_start3A_120] : memref<1600x32xf32, #tpu.memory_space<vmem>> -> memref<16x32xf32, #tpu.memory_space<vmem>>
        %dma_start3A_122 = arith.constant 0 : i32
        %dma_start3A_123 = arith.constant 0 : i32
        %dma_start3A_124 = tpu.memref_slice %arg3[%dma_start3A_122, %dma_start3A_123] : memref<1000001x32xf32, #tpu.memory_space<hbm>> -> memref<1000001x32xf32, #tpu.memory_space<hbm>>
        tpu.enqueue_indirect_dma source(%dma_start3A_124 : memref<1000001x32xf32, #tpu.memory_space<hbm>>) target(%dma_start3A_121 : memref<16x32xf32, #tpu.memory_space<vmem>>) offsets(%add3A_117 : vector<16xi32>) semaphore(%arg13 : memref<!tpu.dma_semaphore, #tpu.memory_space<semaphore_mem>>)
        %scan3A_125 = arith.constant 2 : i32
        %scan3A_126 = arith.addi %scan3A_93, %scan3A_125 : i32
        %mul3A_127 = arith.constant 16 : i32
        %mul3A_128 = arith.muli %scan3A_126, %mul3A_127 : i32
        %get3A_129 = arith.index_cast %mul3A_128 : i32 to index
        %get3A_130 = tpu.vector_load %arg6[%get3A_129] {strides = array<i32>} : memref<1600xi32, #tpu.memory_space<vmem>>, vector<16xi32>,
        %get3A_131 = vector.shape_cast %get3A_130 : vector<16xi32> to vector<16xi32>
        %add3A_132 = arith.constant 1 : i32
        %add3A_133 = vector.broadcast %add3A_132 : i32 to vector<16xi32>
        %add3A_134 = arith.addi %get3A_131, %add3A_133 : vector<16xi32>
        %mul3A_135 = arith.constant 16 : i32
        %mul3A_136 = arith.muli %scan3A_126, %mul3A_135 : i32
        %dma_start3A_137 = arith.constant 0 : i32
        %dma_start3A_138 = tpu.memref_slice %arg8[%mul3A_136, %dma_start3A_137] : memref<1600x32xf32, #tpu.memory_space<vmem>> -> memref<16x32xf32, #tpu.memory_space<vmem>>
        %dma_start3A_139 = arith.constant 0 : i32
        %dma_start3A_140 = arith.constant 0 : i32
        %dma_start3A_141 = tpu.memref_slice %arg3[%dma_start3A_139, %dma_start3A_140] : memref<1000001x32xf32, #tpu.memory_space<hbm>> -> memref<1000001x32xf32, #tpu.memory_space<hbm>>
        tpu.enqueue_indirect_dma source(%dma_start3A_141 : memref<1000001x32xf32, #tpu.memory_space<hbm>>) target(%dma_start3A_138 : memref<16x32xf32, #tpu.memory_space<vmem>>) offsets(%add3A_134 : vector<16xi32>) semaphore(%arg13 : memref<!tpu.dma_semaphore, #tpu.memory_space<semaphore_mem>>)
        %scan3A_142 = arith.constant 3 : i32
        %scan3A_143 = arith.addi %scan3A_93, %scan3A_142 : i32
        %mul3A_144 = arith.constant 16 : i32
        %mul3A_145 = arith.muli %scan3A_143, %mul3A_144 : i32
        %get3A_146 = arith.index_cast %mul3A_145 : i32 to index
        %get3A_147 = tpu.vector_load %arg6[%get3A_146] {strides = array<i32>} : memref<1600xi32, #tpu.memory_space<vmem>>, vector<16xi32>,
        %get3A_148 = vector.shape_cast %get3A_147 : vector<16xi32> to vector<16xi32>
        %add3A_149 = arith.constant 1 : i32
        %add3A_150 = vector.broadcast %add3A_149 : i32 to vector<16xi32>
        %add3A_151 = arith.addi %get3A_148, %add3A_150 : vector<16xi32>
        %mul3A_152 = arith.constant 16 : i32
        %mul3A_153 = arith.muli %scan3A_143, %mul3A_152 : i32
        %dma_start3A_154 = arith.constant 0 : i32
        %dma_start3A_155 = tpu.memref_slice %arg8[%mul3A_153, %dma_start3A_154] : memref<1600x32xf32, #tpu.memory_space<vmem>> -> memref<16x32xf32, #tpu.memory_space<vmem>>
        %dma_start3A_156 = arith.constant 0 : i32
        %dma_start3A_157 = arith.constant 0 : i32
        %dma_start3A_158 = tpu.memref_slice %arg3[%dma_start3A_156, %dma_start3A_157] : memref<1000001x32xf32, #tpu.memory_space<hbm>> -> memref<1000001x32xf32, #tpu.memory_space<hbm>>
        tpu.enqueue_indirect_dma source(%dma_start3A_158 : memref<1000001x32xf32, #tpu.memory_space<hbm>>) target(%dma_start3A_155 : memref<16x32xf32, #tpu.memory_space<vmem>>) offsets(%add3A_151 : vector<16xi32>) semaphore(%arg13 : memref<!tpu.dma_semaphore, #tpu.memory_space<semaphore_mem>>)
      }
      %scan3A_77 = arith.constant 100 : i32
      %dma_wait3A_78 = arith.constant 0 : i32
      %dma_wait3A_79 = arith.constant 0 : i32
      %dma_wait3A_80 = tpu.memref_slice %arg3[%dma_wait3A_78, %dma_wait3A_79] : memref<1000001x32xf32, #tpu.memory_space<hbm>> -> memref<1000001x32xf32, #tpu.memory_space<hbm>>
      tpu.wait_indirect_dma semaphore(%arg13 : memref<!tpu.dma_semaphore, #tpu.memory_space<semaphore_mem>>) src(%dma_wait3A_80 : memref<1000001x32xf32, #tpu.memory_space<hbm>>) dst(%arg8 : memref<1600x32xf32, #tpu.memory_space<vmem>>)
      %mul3A_81 = arith.constant 1600 : i32
      %mul3A_82 = arith.muli %add3A_61, %mul3A_81 : i32
      %add3A_83 = arith.addi %mul3A_2, %mul3A_82 : i32
      %dma_start3A_84 = arith.constant 0 : i32
      %dma_start3A_85 = tpu.memref_slice %arg4[%add3A_83, %dma_start3A_84] : memref<3276800x32xf32, #tpu.memory_space<hbm>> -> memref<1600x32xf32, #tpu.memory_space<hbm>>
      %dma_start3A_86 = arith.constant 0 : i32
      %dma_start3A_87 = tpu.memref_slice %arg4[%add3A_83, %dma_start3A_86] : memref<3276800x32xf32, #tpu.memory_space<hbm>> -> memref<1600x32xf32, #tpu.memory_space<hbm>>
      tpu.enqueue_dma source(%arg8 : memref<1600x32xf32, #tpu.memory_space<vmem>>) target(%dma_start3A_87 : memref<1600x32xf32, #tpu.memory_space<hbm>>) target_semaphore(%arg12 : memref<!tpu.dma_semaphore, #tpu.memory_space<semaphore_mem>>)
      %lt3A_88 = arith.constant 31 : i32
      %lt3A_89 = arith.cmpi slt, %scan3A_26, %lt3A_88 : i32
      %convert_element_type3A_90 = arith.extui %lt3A_89 : i1 to i32
      %cond3A_91 = arith.constant 0 : i32
      %cond3A_92 = arith.cmpi ne, %convert_element_type3A_90, %cond3A_91 : i32
      scf.if %cond3A_92 {
        %add3A_93 = arith.constant 2 : i32
        %add3A_94 = arith.addi %add3A_61, %add3A_93 : i32
        %mul3A_95 = arith.constant 1600 : i32
        %mul3A_96 = arith.muli %add3A_94, %mul3A_95 : i32
        %add3A_97 = arith.addi %mul3A_2, %mul3A_96 : i32
        %dma_start3A_98 = tpu.memref_slice %arg2[%add3A_97] : memref<3276800xi32, #tpu.memory_space<hbm>> -> memref<1600xi32, #tpu.memory_space<hbm>>
        %dma_start3A_99 = tpu.memref_slice %arg2[%add3A_97] : memref<3276800xi32, #tpu.memory_space<hbm>> -> memref<1600xi32, #tpu.memory_space<hbm>>
        tpu.enqueue_dma source(%dma_start3A_99 : memref<1600xi32, #tpu.memory_space<hbm>>) target(%arg6 : memref<1600xi32, #tpu.memory_space<vmem>>) target_semaphore(%arg10 : memref<!tpu.dma_semaphore, #tpu.memory_space<semaphore_mem>>)
      } else {
      }
    }
    %scan3A_14 = arith.constant 32 : i32
    %add3A_15 = arith.constant 99200 : i32
    %add3A_16 = arith.addi %mul3A_2, %add3A_15 : i32
    %dma_wait3A = arith.constant 0 : i32
    %dma_wait3A_17 = tpu.memref_slice %arg4[%add3A_16, %dma_wait3A] : memref<3276800x32xf32, #tpu.memory_space<hbm>> -> memref<1600x32xf32, #tpu.memory_space<hbm>>
    %dma_wait3A_18 = arith.constant 0 : i32
    %dma_wait3A_19 = tpu.memref_slice %arg4[%add3A_16, %dma_wait3A_18] : memref<3276800x32xf32, #tpu.memory_space<hbm>> -> memref<1600x32xf32, #tpu.memory_space<hbm>>
    tpu.wait_dma2 semaphore(%arg11 : memref<!tpu.dma_semaphore, #tpu.memory_space<semaphore_mem>>) src(%arg7 : memref<1600x32xf32, #tpu.memory_space<vmem>>) dst(%dma_wait3A_19 : memref<1600x32xf32, #tpu.memory_space<hbm>>)
    %add3A_20 = arith.constant 100800 : i32
    %add3A_21 = arith.addi %mul3A_2, %add3A_20 : i32
    %dma_wait3A_22 = arith.constant 0 : i32
    %dma_wait3A_23 = tpu.memref_slice %arg4[%add3A_21, %dma_wait3A_22] : memref<3276800x32xf32, #tpu.memory_space<hbm>> -> memref<1600x32xf32, #tpu.memory_space<hbm>>
    %dma_wait3A_24 = arith.constant 0 : i32
    %dma_wait3A_25 = tpu.memref_slice %arg4[%add3A_21, %dma_wait3A_24] : memref<3276800x32xf32, #tpu.memory_space<hbm>> -> memref<1600x32xf32, #tpu.memory_space<hbm>>
    tpu.wait_dma2 semaphore(%arg12 : memref<!tpu.dma_semaphore, #tpu.memory_space<semaphore_mem>>) src(%arg8 : memref<1600x32xf32, #tpu.memory_space<vmem>>) dst(%dma_wait3A_25 : memref<1600x32xf32, #tpu.memory_space<hbm>>)
    return
  }
}

</mosaic_0001>

<sc_bundles>
// kernel: kernel.3.cloned.1.call-start
scs
__scs_entry_jumppad:
0x0: {  	(pc) =	sbr.rel $0x88, $3  }
0x1: {  	(tag) =	ssettag $0x0;
	lr =	simm.s32 $0x1  }
0x2: {  	[smem:$0x3F9F] =	sst lr;
	_ =	strace $0xD0000000  }
0x3: {  	_ = 	snop  }
0x4: {  	_ = 	snop  }
0x5: {  	_ = 	snop  }
0x6: {  	_ = 	snop  }
0x7: {  	_ = 	snop  }
__scs_overlays_trampoline_lowered:
0x8: {  	[smem:$0x3FAE] =	sst s0  }
0x9: {  	[smem:$0x3FAF] =	sst s1  }
0xa: {  	[smem:$0x3FB0] =	sst s2  }
0xb: {  	[smem:$0x3FB1] =	sst s3  }
0xc: {  	[smem:$0x3FB2] =	sst s4  }
0xd: {  	[smem:$0x3FB3] =	sst s5  }
0xe: {  	[smem:$0x3FB4] =	sst s6  }
0xf: {  	[smem:$0x3FB5] =	sst s7  }
0x10: {  	[smem:$0x3FB6] =	sst s8  }
0x11: {  	[smem:$0x3FB7] =	sst s9;
	s0 =	simm.s32 @!p0 $0x0  }
0x12: {  	s1 =	sld [smem:$0x3F9D];
	s0 =	simm.s32 @p0 $0x1  }
0x13: {  	[smem:$0x3FB8] =	sst s0;
	s0 =	simm.s32 @!p1 $0x0  }
0x14: {  	s2 =	sld [smem:$0x3F9C];
	s0 =	simm.s32 @p1 $0x1  }
0x15: {  	[smem:$0x3FB9] =	sst s0;
	s0 =	simm.s32 @!p2 $0x0  }
0x16: {  	s3 =	sld [smem:$0x3FDB];
	s0 =	simm.s32 @p2 $0x1  }
0x17: {  	s4 =	simm.s32 $0x1BF5;
	[smem:$0x3FBB] =	sst s0  }
0x18: {  	s0 =	sld [smem:$0x3F9E];
	_ =	swait.ge [sflag:s4], $0x0  }
0x19: {  	s7 =	sld [smem:$0x3F9F]  }
0x1a: {  	s8 =	sadd.s32 $0xFFFFE003, lr  }
0x1b: {  	s9 =	sadd.s32 $0xFFFFFEF7, lr;
	s5 =	simm.s32 $0xFFFFFFFF;
	p2 =	slt.u32 s8, $0xFFFFF086  }
0x1c: {  	p1 =	slt.u32 s9, $0xF7A;
	s5 =	simm.s32 @!p2 $0x0  }
0x1d: {  	s5 =	simm.s32 @p1 $0x1;
	p0 =	seq.s32 s7, s2  }
0x1e: {  	s7 =	smul.u32 @!p0 $0xF7A, s2;
	p2 =	seq.s32 @!p0 s5, $0x0  }
0x1f: {  	s9 =	smul.u32 $0xF7A, s1;
	s8 =	simm.s32 @!p0 $0x1BF5;
	p2 =	por !p2, p0  }
0x20: {  	[sflag:s8] =	ssyncset.s32 @!p0 $0xFFFFF086;
	s6 =	sadd.s32 @!p0 s3, s7;
	s7 =	simm.s32 @!p0 $0x108  }
0x21: {  	s3 =	sadd.s32 s3, s9;
	s6 =	sadd.s32 @!p0 $0x88, s6;
	s7 =	simm.s32 @p2 $0x1082  }
0x22: {  	[simem:s7], [sflag:s8] =	dma.local @!p0 [hbm:s6], $0xF7A  }
0x23: {  	s9 =	sor.u32 $0xD0000000, s2;
	s6 =	simm.s32 $0x108;
	_ =	swait.ge @!p0 [sflag:s8], $0x0  }
0x24: {  	s3 =	sadd.s32 $0x88, s3;
	s6 =	simm.s32 @!p1 $0x1082;
	[sflag:s4] =	ssyncset.s32 $0xFFFFF086  }
0x25: {  	[simem:s6], [sflag:s4] =	dma.local [hbm:s3], $0xF7A  }
0x26: {  	[smem:$0x3F9F] =	sst s1;
	(tag) =	ssettag s2;
	_ =	strace s9  }
0x27: {  	s1 =	sld [smem:$0x3FAF]  }
0x28: {  	s2 =	sld [smem:$0x3FB0]  }
0x29: {  	s4 =	sld [smem:$0x3FB2]  }
0x2a: {  	p0 =	seq.s32 s5, $0x0;
	s5 =	sld [smem:$0x3FB3]  }
0x2b: {  	s6 =	sld [smem:$0x3FB4]  }
0x2c: {  	s7 =	sld [smem:$0x3FB5]  }
0x2d: {  	s3 =	simm.s32 $0x108;
	s8 =	sld [smem:$0x3FB6]  }
0x2e: {  	s3 =	simm.s32 @!p0 $0x1082;
	s9 =	sld [smem:$0x3FB7]  }
0x2f: {  	lr =	sadd.s32 s0, s3;
	s0 =	sld [smem:$0x3FAE]  }
0x30: {  	s3 =	sld [smem:$0x3FB1]  }
0x31: {  	[smem:$0x3FBA] =	sst s10  }
0x32: {  	s10 =	sld [smem:$0x3FB8];
	_ =	sdelay $0x3  }
0x33: {  	p0 =	seq.s32 s10, $0x1;
	s10 =	sld [smem:$0x3FBA];
	_ =	sdelay $0x3  }
0x34: {  	[smem:$0x3FBA] =	sst s10  }
0x35: {  	s10 =	sld [smem:$0x3FB9];
	_ =	sdelay $0x3  }
0x36: {  	p1 =	seq.s32 s10, $0x1;
	s10 =	sld [smem:$0x3FBA];
	_ =	sdelay $0x3  }
0x37: {  	[smem:$0x3FBA] =	sst s10  }
0x38: {  	s10 =	sld [smem:$0x3FBB]  }
0x39: {  	_ = 	snop;
	(pc) =	sbr.ind lr, $3  }
0x3a: {  	_ = 	snop  }
0x3b: {  	_ = 	snop  }
0x3c: {  	p2 =	seq.s32 s10, $0x1;
	s10 =	sld [smem:$0x3FBA]  }
0x3d: {  	_ =	shalt  }
0x3e: {  	_ =	shalt  }
0x3f: {  	_ =	shalt  }
0x40: {  	_ =	shalt  }
0x41: {  	_ =	shalt  }
0x42: {  	_ =	shalt  }
0x43: {  	_ =	shalt  }
0x44: {  	_ =	shalt  }
0x45: {  	_ =	shalt  }
0x46: {  	_ =	shalt  }
0x47: {  	_ =	shalt  }
0x48: {  	_ =	shalt  }
0x49: {  	_ =	shalt  }
0x4a: {  	_ =	shalt  }
0x4b: {  	_ =	shalt  }
0x4c: {  	_ =	shalt  }
0x4d: {  	_ =	shalt  }
0x4e: {  	_ =	shalt  }
0x4f: {  	_ =	shalt  }
0x50: {  	_ =	shalt  }
0x51: {  	_ =	shalt  }
0x52: {  	_ =	shalt  }
0x53: {  	_ =	shalt  }
0x54: {  	_ =	shalt  }
0x55: {  	_ =	shalt  }
0x56: {  	_ =	shalt  }
0x57: {  	_ =	shalt  }
0x58: {  	_ =	shalt  }
0x59: {  	_ =	shalt  }
0x5a: {  	_ =	shalt  }
0x5b: {  	_ =	shalt  }
0x5c: {  	_ =	shalt  }
0x5d: {  	_ =	shalt  }
0x5e: {  	_ =	shalt  }
0x5f: {  	_ =	shalt  }
0x60: {  	_ =	shalt  }
0x61: {  	_ =	shalt  }
0x62: {  	_ =	shalt  }
0x63: {  	_ =	shalt  }
0x64: {  	_ =	shalt  }
0x65: {  	_ =	shalt  }
0x66: {  	_ =	shalt  }
0x67: {  	_ =	shalt  }
0x68: {  	_ =	shalt  }
0x69: {  	_ =	shalt  }
0x6a: {  	_ =	shalt  }
0x6b: {  	_ =	shalt  }
0x6c: {  	_ =	shalt  }
0x6d: {  	_ =	shalt  }
0x6e: {  	_ =	shalt  }
0x6f: {  	_ =	shalt  }
0x70: {  	_ =	shalt  }
0x71: {  	_ =	shalt  }
0x72: {  	_ =	shalt  }
0x73: {  	_ =	shalt  }
0x74: {  	_ =	shalt  }
0x75: {  	_ =	shalt  }
0x76: {  	_ =	shalt  }
0x77: {  	_ =	shalt  }
0x78: {  	_ =	shalt  }
0x79: {  	_ =	shalt  }
0x7a: {  	_ =	shalt  }
0x7b: {  	_ =	shalt  }
0x7c: {  	_ =	shalt  }
0x7d: {  	_ =	shalt  }
0x7e: {  	_ =	shalt  }
0x7f: {  	_ =	shalt  }
0x80: {  	_ =	shalt  }
0x81: {  	_ =	shalt  }
0x82: {  	_ =	shalt  }
0x83: {  	_ =	shalt  }
0x84: {  	_ =	shalt  }
0x85: {  	_ =	shalt  }
0x86: {  	_ =	shalt  }
0x87: {  	_ =	shalt  }
.Lfunc_end0:
.L_simem_size_0:
called_computation.1_lowered:
.L_overlay_start_0:
0x88: {  	s2 =	sld [smem:$0x3FD9]  }
0x89: {  	s3 =	sld [smem:$0x3FFE];
	_ =	sdelay $0x1  }
0x8a: {  	s1 =	srdreg.scid  }
0x8b: {  	s0 =	sand.u32 $0x1, s1  }
0x8c: {  	s17 =	sshll.u32 s0, $0xA;
	s2 =	sadd.s32 s3, s2  }
0x8d: {  	s2 =	sadd.s32 s2, s17  }
0x8e: {  	[smem:$0x3FC6] =	sst s2  }
0x8f: {  	_ = 	snop  }
0x90: {  	s2 =	sld [smem:$0x3FD0];
	(tm) =	ssettm $0x1  }
0x91: {  	s18 =	sld [smem:$0x3FFB];
	_ =	sdelay $0x3  }
0x92: {  	_ =	strace s18  }
0x93: {  	s3 =	sld [smem:$0x3FFC];
	_ =	sdelay $0x3  }
0x94: {  	_ =	strace s3  }
0x95: {  	s3 =	sld [smem:$0x3FFD];
	_ =	sdelay $0x3  }
0x96: {  	_ =	strace s3  }
0x97: {  	_ =	strace $0x8FFFFFFF  }
0x98: {  	s19 =	sld [smem:$0x3FDB];
	_ =	sdelay $0x1  }
0x99: {  	s4 =	simm.s32 $_scs_section_size  }
0x9a: {  	s5 =	simm.s32 $_size__tile_overlayer_lowered;
	s6 =	simm.s32 $_tile_overlayer_lowered  }
0x9b: {  	s22 =	simm.s32 $0x1BFF;
	s21 =	sshll.u32 s6, $0x1;
	s3 =	sadd.s32 s4, s19  }
0x9c: {  	s7 =	simm.s32 $0x0;
	s20 =	sshll.u32 s5, $0x1;
	s5 =	sadd.s32 s21, s3  }
0x9d: {  	[timem:s7], [sflag:s22] =	dma.local [hbm:s5], s20  }
0x9e: {  	_ =	swait.ge [sflag:s22], s20  }
0x9f: {  	s4 =	ssub.s32 $0x0, s20;
	[sflag:s22] =	ssyncset.done $0x0  }
0xa0: {  	[sflag:s22] =	ssyncadd.s32 s4;
	_ =	sdelay $0x1  }
0xa1: {  	s23 =	simm.s32 $0x1B8B  }
0xa2: {  	_ =	swait.ge [sflag:s23], $0x1  }
0xa3: {  	[sflag:s23] =	ssyncset.done $0x0  }
0xa4: {  	s25 =	simm.s32 $0x1B8E;
	s24 =	sld [smem:$0x3FFE];
	[sflag:s23] =	ssyncadd.s32 $0xFFFFFFFF  }
0xa5: {  	s26 =	simm.s32 $execute0_lowered;
	[smem:$0x3FD2] =	sst s25  }
0xa6: {  	s5 =	sshll.u32 s26, $0x1;
	_ =	strace $0x80000046;
	[dreg:$0x1] =	wrdreg $0xFFFFFFFF  }
0xa7: {  	s28 =	simm.s32 $_size_execute0_lowered;
	s3 =	sadd.s32 s3, s5;
	[dreg:$0x0] =	wrdreg $0x0  }
0xa8: {  	s5 =	sshll.u32 s28, $0x1;
	[dreg:$0x2] =	wrdreg s3  }
0xa9: {  	[dreg:$0x3] =	wrdreg s5  }
0xaa: {  	[dreg:$0x4] =	wrdreg $0xC0  }
0xab: {  	_ =	task [dreg:s7], $0x5FFFF  }
0xac: {  	[dreg:$0x1] =	wrdreg $0xFFFFFFFF  }
0xad: {  	[dreg:$0x0] =	wrdreg $0x60  }
0xae: {  	[dreg:$0x2] =	wrdreg s24  }
0xaf: {  	[dreg:$0x3] =	wrdreg s2  }
0xb0: {  	[dreg:$0x4] =	wrdreg $0x9  }
0xb1: {  	_ =	task.clear_ibuf [dreg:s7], $0x5FFFF;
	_ =	strace $0x90000046  }
0xb2: {  	s29 =	simm.s32 $0x9;
	_ =	strace $0x80000048  }
0xb3: {  	_ =	swait.ge [sflag:s29], $0x1  }
0xb4: {  	[sflag:s29] =	ssyncadd.s32 $0xFFFFFFFF  }
0xb5: {  	_ =	strace $0x90000048  }
0xb6: {  	_ =	sfence  }
0xb7: {  	s30 =	sld [smem:$0x0];
	_ =	sdelay $0x2  }
0xb8: {  	s31 =	sshll.u32 s1, $0xD;
	s1 =	sshrl.u32 s1, $0x2  }
0xb9: {  	s3 =	sand.u32 $0x4000, s31;
	s1 =	sadd.s32 s1, s30  }
0xba: {  	s0 =	sor.u32 s3, s0;
	s1 =	sshll.u32 s1, $0x11  }
0xbb: {  	s0 =	sor.u32 s1, s0  }
0xbc: {  	s0 =	sadd.s32 $0x8F2B, s0  }
0xbd: {  	[sflag:s0] =	ssyncadd.remote.s32 $0x1  }
0xbe: {  	_ =	sfence.sel $0xFFFF  }
0xbf: {  	[dreg:$0x0] =	wrdreg $0xFFFFFFFF;
	(pc) =	sbr.abs _section_cstart, $3  }
0xc0: {  	[dreg:$0x1] =	wrdreg $0xFFFFFFFF  }
0xc1: {  	_ =	task.clear_ibuf [dreg:s7], $0x2FFFF;
	_ =	strace $0x9FFFFFFF  }
0xc2: {  	(tm) =	ssettm $0x7FFFFFFF  }
0xc3: {  	_ =	shalt  }
tec
execute0_lowered:
.L_overlay_start_1:
0x0: {  	(tag) =	ssettag $0x1  }
0x1: {  	s6 =	rddreg [dreg:$0x0];
	s1 =	srdreg.scid  }
0x2: {  	s0 =	stileid.u32;
	s2 =	rddreg [dreg:$0x1]  }
0x3: {  	s3 =	simm.s32 $0x0;
	s13 =	simm.s32 $0x640;
	s14 =	simm.s32 $0x1  }
0x4: {  	s15 =	simm.s32 $0x5;
	s16 =	simm.s32 $0xC80;
	s17 =	simm.s32 $0x2  }
0x5: {  	s18 =	simm.s32 $0xD480;
	s7 =	sand.u32 $0x1, s1;
	s4 =	sshll.u32 s0, $0x1  }
0x6: {  	s19 =	simm.s32 $0x3;
	s20 =	simm.s32 $0x4;
	s4 =	sor.u32 s7, s4  }
0x7: {  	s21 =	simm.s32 $0x0;
	s1 =	rddreg [dreg:$0x2];
	s4 =	smul.u32 $0x19000, s4  }
.Ltmp0:
0x8: {  	[smem:$0x7FF] =	sst s3;
	s8 =	ssub.s32 $0x2, s7;
	(pc) =	sbr.rel .LBB2_1-.Ltmp0, $4  }
0x9: {  	s5 =	sadd.s32 $0x800, s6;
	s6 =	sadd.s32 $0xFA6E00, s6;
	s9 =	sshrl.u32 s8, $0x1  }
0xa: {  	_ =	strace $0x80000047;
	s12 =	ssub.s32 s8, s9;
	s31 =	sshrl.u32 s4, $0x3  }
0xb: {  	s9 =	sor.u32 $0xC80, s4;
	s10 =	sor.u32 $0x640, s4;
	s7 =	sadd.s32 s5, s31  }
0xc: {  	vm0 =	vmmov $0xffff;
	s11 =	sadd.s32 $0x12C0, s4;
	s12 =	smax.u32 s12, $0x1;
	s8 =	sadd.s32 $0xC8, s7  }
.LBB2_8:
0xd: {  	s21 =	sadd.s32 $0x1, s21  }
0xe: {  	_ =	swait.ge [sflag:s19], $0xC800;
	p0 =	sne.s32 s21, s12  }
.Ltmp1:
0xf: {  	[sflag:s19] =	ssyncset.done $0x0;
	(pc) =	sbr.rel @!p0 .LBB2_9-.Ltmp1, $4  }
0x10: {  	[sflag:s19] =	ssyncadd.s32 $0xFFFF3800  }
0x11: {  	_ =	swait.ge [sflag:s20], $0xC800  }
0x12: {  	[sflag:s20] =	ssyncset.done $0x0  }
0x13: {  	[sflag:s20] =	ssyncadd.s32 $0xFFFF3800  }
.LBB2_1:
0x14: {  	[tilespmem:s3], [sflag:$0x1] =	stream.linear.gather [hbm4b:s7+s3], $0x640, $0x38;
	[tilespmem:$0x19C80] =	vst v63  }
0x15: {  	s22 =	simm.s32 $0x0  }
0x16: {  	[tilespmem:s13], [sflag:$0x2] =	stream.linear.gather [hbm4b:s8+s3], $0x640, $0x38;
	[tilespmem:$0x19C80] =	vst v63  }
.LBB2_2:
0x17: {  	_ =	swait.ge [sflag:s14], $0x640  }
0x18: {  	p0 =	seq.s32 s22, $0x0;
	[sflag:s14] =	ssyncset.done $0x0  }
0x19: {  	s25 =	simm.s32 @!p0 $0x3;
	[sflag:s14] =	ssyncadd.s32 $0xFFFFF9C0  }
0x1a: {  	s23 =	smul.u32 $0xC80, s22;
	_ =	swait.ge @!p0 [sflag:s25], $0xC800  }
0x1b: {  	s26 =	simm.s32 $0x1280;
	s28 =	simm.s32 $0x20;
	[sflag:s25] =	ssyncset.done @!p0 $0x0  }
0x1c: {  	s24 =	sadd.s32 s4, s23;
	[sflag:s25] =	ssyncadd.s32 @!p0 $0xFFFF3800;
	s25 =	simm.s32 $0xFFFFFFFC  }
.LBB2_3:
0x1d: {  	v0 =	vld [tilespmem:s28+$0xFFFFFFE0];
	_ =	sdelay $0x4  }
0x1e: {  	v0 =	vadd.s32 $0x1, v0;
	_ =	sdelay $0x3  }
0x1f: {  	s29 =	sadd.s32 $0xFFFFFA00, s26  }
0x20: {  	[tilespmem:s29], [sflag:$0x5] =	stream.indirect_vreg.gather [hbm4b:s6+s3], $0x20, v0, vm0, $0xb8;
	[tilespmem:$0x19C80] =	vst v63  }
0x21: {  	v0 =	vld [tilespmem:s28+$0xFFFFFFF0];
	_ =	sdelay $0x4  }
0x22: {  	v0 =	vadd.s32 $0x1, v0;
	_ =	sdelay $0x3  }
0x23: {  	s30 =	sadd.s32 $0xFFFFFC00, s26  }
0x24: {  	[tilespmem:s30], [sflag:$0x5] =	stream.indirect_vreg.gather [hbm4b:s6+s3], $0x20, v0, vm0, $0xb8;
	[tilespmem:$0x19C80] =	vst v63  }
0x25: {  	v0 =	vld [tilespmem:s28+$0x0];
	_ =	sdelay $0x4  }
0x26: {  	v0 =	vadd.s32 $0x1, v0;
	_ =	sdelay $0x3  }
0x27: {  	s31 =	sadd.s32 $0xFFFFFE00, s26  }
0x28: {  	[tilespmem:s31], [sflag:$0x5] =	stream.indirect_vreg.gather [hbm4b:s6+s3], $0x20, v0, vm0, $0xb8;
	[tilespmem:$0x19C80] =	vst v63  }
0x29: {  	v0 =	vld [tilespmem:s28+$0x10];
	_ =	sdelay $0x4  }
0x2a: {  	s25 =	sadd.s32 $0x4, s25;
	v0 =	vadd.s32 $0x1, v0  }
0x2b: {  	p1 =	slt.u32 s25, $0x60  }
.Ltmp2:
0x2c: {  	_ = 	snop;
	(pc) =	sbr.rel @p1 .LBB2_3-.Ltmp2, $3  }
0x2d: {  	_ =	sdelay $0x1  }
0x2e: {  	[tilespmem:s26], [sflag:$0x5] =	stream.indirect_vreg.gather [hbm4b:s6+s3], $0x20, v0, vm0, $0xb8;
	[tilespmem:$0x19C80] =	vst v63  }
0x2f: {  	s28 =	sadd.s32 $0x40, s28;
	s26 =	sadd.s32 $0x800, s26  }
0x30: {  	_ =	swait.ge [sflag:s15], $0xC800  }
0x31: {  	s24 =	sshll.u32 s24, $0x2;
	[sflag:s15] =	ssyncset.done $0x0  }
0x32: {  	p1 =	seq.s32 s22, $0x1F;
	s24 =	sadd.s32 s2, s24;
	[sflag:s15] =	ssyncadd.s32 $0xFFFF3800  }
0x33: {  	[hbm4b:s24+s3] =	stream.linear.scatter [tilespmem:s16], [sflag:$0x3], $0xC800, $0x38;
	[tilespmem:$0x19C80] =	vst v63  }
0x34: {  	s24 =	sadd.s32 @!p1 s23, s9  }
0x35: {  	s24 =	sshrl.u32 @!p1 s24, $0x3  }
0x36: {  	s25 =	simm.s32 @!p1 $0x0;
	s24 =	sadd.s32 @!p1 s5, s24  }
0x37: {  	[tilespmem:s25], [sflag:$0x1] =	stream.linear.gather @!p1 [hbm4b:s24+s25], $0x640, $0x38;
	[tilespmem:$0x19C80] =	vst v63  }
0x38: {  	_ =	swait.ge [sflag:s17], $0x640  }
0x39: {  	[sflag:s17] =	ssyncset.done $0x0  }
0x3a: {  	s25 =	simm.s32 @!p0 $0x4;
	[sflag:s17] =	ssyncadd.s32 $0xFFFFF9C0  }
0x3b: {  	_ =	swait.ge @!p0 [sflag:s25], $0xC800  }
0x3c: {  	s26 =	simm.s32 $0xDA80;
	s28 =	simm.s32 $0x660;
	[sflag:s25] =	ssyncset.done @!p0 $0x0  }
0x3d: {  	s24 =	sadd.s32 s23, s10;
	[sflag:s25] =	ssyncadd.s32 @!p0 $0xFFFF3800;
	s25 =	simm.s32 $0xFFFFFFFC  }
.LBB2_5:
0x3e: {  	v0 =	vld [tilespmem:s28+$0xFFFFFFE0];
	_ =	sdelay $0x4  }
0x3f: {  	v0 =	vadd.s32 $0x1, v0;
	_ =	sdelay $0x3  }
0x40: {  	s29 =	sadd.s32 $0xFFFFFA00, s26  }
0x41: {  	[tilespmem:s29], [sflag:$0x5] =	stream.indirect_vreg.gather [hbm4b:s6+s3], $0x20, v0, vm0, $0xb8;
	[tilespmem:$0x19C80] =	vst v63  }
0x42: {  	v0 =	vld [tilespmem:s28+$0xFFFFFFF0];
	_ =	sdelay $0x4  }
0x43: {  	v0 =	vadd.s32 $0x1, v0;
	_ =	sdelay $0x3  }
0x44: {  	s30 =	sadd.s32 $0xFFFFFC00, s26  }
0x45: {  	[tilespmem:s30], [sflag:$0x5] =	stream.indirect_vreg.gather [hbm4b:s6+s3], $0x20, v0, vm0, $0xb8;
	[tilespmem:$0x19C80] =	vst v63  }
0x46: {  	v0 =	vld [tilespmem:s28+$0x0];
	_ =	sdelay $0x4  }
0x47: {  	v0 =	vadd.s32 $0x1, v0;
	_ =	sdelay $0x3  }
0x48: {  	s31 =	sadd.s32 $0xFFFFFE00, s26  }
0x49: {  	[tilespmem:s31], [sflag:$0x5] =	stream.indirect_vreg.gather [hbm4b:s6+s3], $0x20, v0, vm0, $0xb8;
	[tilespmem:$0x19C80] =	vst v63  }
0x4a: {  	v0 =	vld [tilespmem:s28+$0x10];
	_ =	sdelay $0x4  }
0x4b: {  	s25 =	sadd.s32 $0x4, s25;
	v0 =	vadd.s32 $0x1, v0  }
0x4c: {  	p0 =	slt.u32 s25, $0x60  }
.Ltmp3:
0x4d: {  	_ = 	snop;
	(pc) =	sbr.rel @p0 .LBB2_5-.Ltmp3, $3  }
0x4e: {  	_ =	sdelay $0x1  }
0x4f: {  	[tilespmem:s26], [sflag:$0x5] =	stream.indirect_vreg.gather [hbm4b:s6+s3], $0x20, v0, vm0, $0xb8;
	[tilespmem:$0x19C80] =	vst v63  }
0x50: {  	s28 =	sadd.s32 $0x40, s28;
	s26 =	sadd.s32 $0x800, s26  }
.Ltmp4:
0x51: {  	(pc) =	sbr.rel @p1 .LBB2_8-.Ltmp4, $4  }
0x52: {  	_ =	swait.ge [sflag:s15], $0xC800;
	s24 =	sshll.u32 s24, $0x2  }
0x53: {  	[sflag:s15] =	ssyncset.done $0x0;
	s24 =	sand.u32 $0x1FFFFF00, s24  }
0x54: {  	[sflag:s15] =	ssyncadd.s32 $0xFFFF3800;
	s24 =	sadd.s32 s2, s24  }
0x55: {  	[hbm4b:s24+s3] =	stream.linear.scatter [tilespmem:s18], [sflag:$0x4], $0xC800, $0x38;
	[tilespmem:$0x19C80] =	vst v63  }
.Ltmp5:
0x56: {  	(pc) =	sbr.rel .LBB2_2-.Ltmp5, $4  }
0x57: {  	s23 =	sadd.s32 s23, s11  }
0x58: {  	s23 =	sshrl.u32 s23, $0x3  }
0x59: {  	s22 =	sadd.s32 $0x1, s22;
	s23 =	sadd.s32 s5, s23  }
0x5a: {  	[tilespmem:s13], [sflag:$0x2] =	stream.linear.gather [hbm4b:s23+s3], $0x640, $0x38;
	[tilespmem:$0x19C80] =	vst v63  }
.LBB2_9:
0x5b: {  	_ =	sfence.sel $0x180000  }
0x5c: {  	[bflag:$0x0] =	sbarrier.arrive $0xFFFF  }
0x5d: {  	p0 =	sne.s32 s0, $0x0;
	_ =	strace $0x90000047  }
0x5e: {  	s0 =	sadd.s32 @!p0 $0x100000, s1;
	[bflag:$0x2] =	sbarrier.arrive $0xFFFF  }
0x5f: {  	[sflag:s0] =	ssyncadd.tile.s32 @!p0 $0x1;
	_ =	shalt  }
.Lfunc_end2:
_tile_overlayer_lowered:
.L_overlay_start_2:
0x60: {  	(tag) =	ssettag $0x2  }
0x61: {  	s0 =	rddreg [dreg:$0x0];
	s2 =	stileid.u32  }
0x62: {  	s1 =	rddreg [dreg:$0x1];
	p0 =	sne.s32 s2, $0x0  }
0x63: {  	s3 =	rddreg [dreg:$0x2];
	[bflag:$0x3] =	sbarrier.arrive $0xFFFF;
	s2 =	simm.s32 @!p0 $0x1C06  }
0x64: {  	[timem:s3], [sflag:s2] =	dma.local @!p0 [hbm:s0], s1  }
0x65: {  	s0 =	simm.s32 @!p0 $0x6  }
0x66: {  	_ =	swait.ge @!p0 [sflag:s0], s1  }
0x67: {  	s1 =	ssub.s32 @!p0 $0x0, s1;
	[sflag:s0] =	ssyncset.done @!p0 $0x0  }
0x68: {  	[sflag:s0] =	ssyncadd.s32 @!p0 s1  }
0x69: {  	[bflag:$0x3] =	sbarrier.arrive $0xFFFF  }
0x6a: {  	_ =	shalt  }

// kernel: sparse-core-data-format-call.cloned.1.call-start
scs
called_computation_lowered:
.L_overlay_start_0:
0x0: {  	s2 =	sld [smem:$0x3FD9]  }
0x1: {  	s3 =	sld [smem:$0x3FFE];
	_ =	sdelay $0x1  }
0x2: {  	s1 =	srdreg.scid  }
0x3: {  	s0 =	sand.u32 $0x1, s1  }
0x4: {  	s18 =	sshll.u32 s0, $0xA;
	s2 =	sadd.s32 s3, s2  }
0x5: {  	s2 =	sadd.s32 s2, s18  }
0x6: {  	[smem:$0x3FC6] =	sst s2  }
0x7: {  	_ = 	snop  }
0x8: {  	s2 =	sld [smem:$0x3FD0];
	(tm) =	ssettm $0x1  }
0x9: {  	s19 =	sld [smem:$0x3FFB];
	_ =	sdelay $0x3  }
0xa: {  	_ =	strace s19  }
0xb: {  	s3 =	sld [smem:$0x3FFC];
	_ =	sdelay $0x3  }
0xc: {  	_ =	strace s3  }
0xd: {  	s3 =	sld [smem:$0x3FFD];
	_ =	sdelay $0x3  }
0xe: {  	_ =	strace s3  }
0xf: {  	_ =	strace $0x8FFFFFFF  }
0x10: {  	s20 =	sld [smem:$0x3FDB];
	_ =	sdelay $0x1  }
0x11: {  	s4 =	simm.s32 $_scs_section_size  }
0x12: {  	s5 =	simm.s32 $_size__tile_overlayer_lowered;
	s6 =	simm.s32 $_tile_overlayer_lowered  }
0x13: {  	s23 =	simm.s32 $0x1BFF;
	s22 =	sshll.u32 s6, $0x1;
	s3 =	sadd.s32 s4, s20  }
0x14: {  	s7 =	simm.s32 $0x0;
	s21 =	sshll.u32 s5, $0x1;
	s5 =	sadd.s32 s22, s3  }
0x15: {  	[timem:s7], [sflag:s23] =	dma.local [hbm:s5], s21  }
0x16: {  	_ =	swait.ge [sflag:s23], s21  }
0x17: {  	s4 =	ssub.s32 $0x0, s21;
	[sflag:s23] =	ssyncset.done $0x0  }
0x18: {  	[sflag:s23] =	ssyncadd.s32 s4;
	_ =	sdelay $0x1  }
0x19: {  	s24 =	simm.s32 $0x1B8B  }
0x1a: {  	_ =	swait.ge [sflag:s24], $0x1  }
0x1b: {  	[sflag:s24] =	ssyncset.done $0x0  }
0x1c: {  	s26 =	simm.s32 $0x1B8E;
	s25 =	sld [smem:$0x3FFE];
	[sflag:s24] =	ssyncadd.s32 $0xFFFFFFFF  }
0x1d: {  	s27 =	simm.s32 $execute0_lowered;
	[smem:$0x3FD2] =	sst s26  }
0x1e: {  	s5 =	sshll.u32 s27, $0x1;
	_ =	strace $0x80000049;
	[dreg:$0x1] =	wrdreg $0xFFFFFFFF  }
0x1f: {  	s28 =	simm.s32 $_size_execute0_lowered;
	s3 =	sadd.s32 s3, s5;
	[dreg:$0x0] =	wrdreg $0x0  }
0x20: {  	s5 =	sshll.u32 s28, $0x1;
	[dreg:$0x2] =	wrdreg s3  }
0x21: {  	[dreg:$0x3] =	wrdreg s5  }
0x22: {  	[dreg:$0x4] =	wrdreg $0xC0  }
0x23: {  	_ =	task [dreg:s7], $0x5FFFF  }
0x24: {  	[dreg:$0x1] =	wrdreg $0xFFFFFFFF  }
0x25: {  	[dreg:$0x0] =	wrdreg $0x60  }
0x26: {  	[dreg:$0x2] =	wrdreg s25  }
0x27: {  	[dreg:$0x3] =	wrdreg s2  }
0x28: {  	[dreg:$0x4] =	wrdreg $0x9  }
0x29: {  	_ =	task.clear_ibuf [dreg:s7], $0x5FFFF;
	_ =	strace $0x90000049  }
0x2a: {  	s29 =	simm.s32 $0x9;
	_ =	strace $0x8000004B  }
0x2b: {  	_ =	swait.ge [sflag:s29], $0x1  }
0x2c: {  	[sflag:s29] =	ssyncadd.s32 $0xFFFFFFFF  }
0x2d: {  	_ =	strace $0x9000004B  }
0x2e: {  	_ =	sfence  }
0x2f: {  	s30 =	sld [smem:$0x0];
	_ =	sdelay $0x2  }
0x30: {  	s31 =	sshll.u32 s1, $0xD;
	s1 =	sshrl.u32 s1, $0x2  }
0x31: {  	s3 =	sand.u32 $0x4000, s31;
	s1 =	sadd.s32 s1, s30  }
0x32: {  	s0 =	sor.u32 s3, s0;
	s1 =	sshll.u32 s1, $0x11  }
0x33: {  	s0 =	sor.u32 s1, s0  }
0x34: {  	s0 =	sadd.s32 $0x8F2B, s0  }
0x35: {  	[sflag:s0] =	ssyncadd.remote.s32 $0x1  }
0x36: {  	_ =	sfence.sel $0xFFFF  }
0x37: {  	[dreg:$0x0] =	wrdreg $0xFFFFFFFF;
	(pc) =	sbr.abs _section_cstart, $3  }
0x38: {  	[dreg:$0x1] =	wrdreg $0xFFFFFFFF  }
0x39: {  	_ =	task.clear_ibuf [dreg:s7], $0x2FFFF;
	_ =	strace $0x9FFFFFFF  }
0x3a: {  	(tm) =	ssettm $0x7FFFFFFF  }
0x3b: {  	_ =	shalt  }
tec
execute0_lowered:
.L_overlay_start_1:
0x0: {  	(tag) =	ssettag $0x1  }
0x1: {  	s0 =	srdreg.scid  }
0x2: {  	s1 =	sshll.u32 s0, $0x4  }
0x3: {  	s0 =	stileid.u32;
	s1 =	sand.u32 $0x10, s1  }
0x4: {  	s1 =	sor.u32 s0, s1  }
0x5: {  	s6 =	rddreg [dreg:$0x0];
	s4 =	simm.s32 $0x1;
	s2 =	sshll.u32 s1, $0x7  }
0x6: {  	s7 =	simm.s32 $0x2;
	s12 =	simm.s32 $0x0;
	s1 =	ssub.s32 $0x4000, s2  }
0x7: {  	s8 =	simm.s32 $0x20000;
	s13 =	simm.s32 $0x0;
	s3 =	sand.u32 $0xF80, s1  }
0x8: {  	s9 =	simm.s32 $0x0;
	s5 =	sshrl.u32 s1, $0xC;
	p0 =	sne.s32 s3, $0x0  }
.Ltmp0:
0x9: {  	s1 =	rddreg [dreg:$0x2];
	s4 =	simm.s32 @!p0 $0x0;
	(pc) =	sbr.rel .LBB1_1-.Ltmp0, $4  }
0xa: {  	s11 =	simm.s32 $0x0;
	s3 =	rddreg [dreg:$0x1];
	s5 =	sadd.s32 s4, s5  }
0xb: {  	_ =	strace $0x8000004A;
	s4 =	simm.s32 $0x1;
	s5 =	smul.u32 $0xC8, s5  }
0xc: {  	s6 =	sadd.s32 $0x800, s6;
	s10 =	smov.u32 s2;
	[sflag:s4] =	ssyncpa.u1 $0x0  }
0xd: {  	p0 =	por $0x0, $0x0;
	[sflag:s7] =	ssyncpa.u1 $0x0;
	s7 =	sor.u32 $0x1, s5  }
.LBB1_4:
0xe: {  	s16 =	sshll.u32 s13, $0x3;
	s17 =	sand.u32 $0x78, s13  }
0xf: {  	s30 =	sand.u32 $0xF800, s13;
	s12 =	sshll.u32 s12, $0x10;
	s16 =	sand.u32 $0x3C00, s16  }
0x10: {  	s31 =	sand.u32 $0x7, s13;
	s16 =	sor.u32 s17, s16;
	s17 =	sadd.s32 s3, s30  }
0x11: {  	s13 =	sshll.u32 s31, $0x12;
	s16 =	sshrl.u32 s16, $0x3;
	s12 =	sadd.s32 s12, s17  }
0x12: {  	[tilespmem:s15+$0x0 ss:$0x81] =	vst.msk $0xffff, v0;
	s13 =	sor.u32 $0x400, s13;
	s12 =	sadd.s32 s16, s12  }
0x13: {  	[hbm4b:s12+s13] =	stream.strided.scatter [tilespmem:s14], [sflag:$0x2], $0x1000, s8, s13, $0x20;
	[tilespmem:$0x4040] =	vst v63  }
.LBB1_5:
0x14: {  	s14 =	sadd.s32 $0x1, s9  }
0x15: {  	s12 =	sadd.s32 $0x1000, s10;
	s16 =	smov.u32 s10;
	p2 =	sgt.s32 s14, $0xC7  }
0x16: {  	s16 =	smov.u32 @p2 s12  }
0x17: {  	s14 =	simm.s32 @p2 $0x0;
	p2 =	sgt.s32 s16, $0x3FFF  }
0x18: {  	s16 =	smov.u32 @p2 s2;
	p2 =	sne.s32 s11, s7  }
.Ltmp1:
0x19: {  	p1 =	slt.u32 s11, $0x2;
	(pc) =	sbr.rel @!p2 .LBB1_6-.Ltmp1, $4  }
0x1a: {  	s15 =	simm.s32 @!p1 $0x2  }
0x1b: {  	s13 =	smov.u32 s10;
	p0 =	por !p0, !p0;
	_ =	swait.ge @!p1 [sflag:s15], $0x1000  }
0x1c: {  	s12 =	smov.u32 s9;
	[sflag:s15] =	ssyncset.done @!p1 $0x0;
	s9 =	smov.u32 s14  }
0x1d: {  	s11 =	sadd.s32 $0x1, s11;
	[sflag:s15] =	ssyncadd.s32 @!p1 $0xFFFFF000;
	s10 =	smov.u32 s16  }
.LBB1_1:
0x1e: {  	p1 =	sge.u32 s11, s5  }
0x1f: {  	s14 =	sand.u32 @!p1 $0x1FFFFFF, s9  }
0x20: {  	s15 =	smulhi.u32 @!p1 $0x147AE15, s14;
	_ =	sdelay $0x1  }
0x21: {  	s15 =	smul.u32 @!p1 $0xC8, s15  }
0x22: {  	s16 =	sxor.u32 @!p1 $0xFFFFFFFF, s11;
	s17 =	smul.u32 @!p1 $0xC80, s10  }
0x23: {  	s31 =	sadd.s32 $0xFFFFFFFF, s11;
	s16 =	sshll.u32 @!p1 s16, $0xC;
	s14 =	ssub.s32 @!p1 s14, s15  }
0x24: {  	s15 =	sand.u32 @!p1 $0x1000, s16;
	s16 =	sadd.s32 @!p1 s6, s17;
	s14 =	sshll.u32 @!p1 s14, $0x4  }
0x25: {  	s17 =	simm.s32 @!p1 $0x6400;
	s14 =	sadd.s32 @!p1 s14, s16;
	s16 =	simm.s32 @!p1 $0x20  }
0x26: {  	[tilespmem:s15], [sflag:$0x1] =	stream.strided.gather @!p1 [hbm4b:s14+s16], $0x1000, s17, s16, $0x38;
	[tilespmem:$0x4040] =	vst v63  }
0x27: {  	p1 =	sge.u32 s31, s5  }
.Ltmp2:
0x28: {  	_ = 	snop;
	(pc) =	sbr.rel @p1 .LBB1_5-.Ltmp2, $1  }
0x29: {  	_ =	sdelay $0x3  }
0x2a: {  	s14 =	simm.s32 $0x1  }
0x2b: {  	_ =	swait.ge [sflag:s4], $0x1000;
	s14 =	simm.s32 @!p0 $0x0  }
0x2c: {  	[sflag:s4] =	ssyncset.done $0x0;
	s15 =	sshll.u32 s14, $0xC  }
0x2d: {  	[sflag:s4] =	ssyncadd.s32 $0xFFFFF000;
	s18 =	sor.u32 $0x10, s15  }
0x2e: {  	s14 =	smul.u32 $0x4080, s14;
	v1 =	vld [tilespmem:s18+$0x0]  }
0x2f: {  	s30 =	sand.u32 $0x1, s11;
	v0 =	vld [tilespmem:s18+$0xFFFFFFF0]  }
0x30: {  	s15 =	smul.u32 $0x4080, s30;
	s14 =	sshrl.u32 s14, $0x2  }
0x31: {  	s16 =	sor.u32 $0x2000, s14  }
0x32: {  	s31 =	sshrl.u32 s15, $0x2;
	s15 =	sadd.s32 $0x0, s16  }
0x33: {  	s17 =	simm.s32 $0x4;
	s18 =	sadd.s32 $0x20, s18;
	s14 =	sor.u32 $0x2000, s31;
	[tilespmem:s15+$0x810 ss:$0x81] =	vst.msk $0xffff, v1  }
.LBB1_3:
0x34: {  	v1 =	vld [tilespmem:s18+$0x0];
	p1 =	sne.s32 s17, $0x1FC;
	[tilespmem:s15+$0x0 ss:$0x81] =	vst.msk $0xffff, v0;
	s15 =	smov.u32 s17;
	s17 =	sadd.s32 $0x4, s17  }
.Ltmp3:
0x35: {  	v0 =	vld [tilespmem:s18+$0xFFFFFFF0];
	(pc) =	sbr.rel @p1 .LBB1_3-.Ltmp3, $4  }
0x36: {  	_ = 	snop  }
0x37: {  	s15 =	sshra.s32 s15, $0x2  }
0x38: {  	s15 =	sadd.s32 s15, s16  }
0x39: {  	s18 =	sadd.s32 $0x20, s18;
	[tilespmem:s15+$0x810 ss:$0x81] =	vst.msk $0xffff, v1  }
.Ltmp4:
0x3a: {  	_ = 	snop;
	(pc) =	sbr.rel .LBB1_4-.Ltmp4, $1  }
0x3b: {  	_ =	sdelay $0x3  }
.LBB1_6:
0x3c: {  	_ =	sfence.sel $0x180000  }
0x3d: {  	s2 =	simm.s32 $0x1;
	[bflag:$0x0] =	sbarrier.arrive $0xFFFF  }
0x3e: {  	s31 =	simm.s32 $0x2;
	[sflag:s2] =	ssyncpa.u1 $0x1  }
0x3f: {  	[sflag:s31] =	ssyncpa.u1 $0x1  }
0x40: {  	p0 =	sne.s32 s0, $0x0;
	_ =	strace $0x9000004A  }
0x41: {  	s0 =	sadd.s32 @!p0 $0x100000, s1;
	[bflag:$0x2] =	sbarrier.arrive $0xFFFF  }
0x42: {  	[sflag:s0] =	ssyncadd.tile.s32 @!p0 $0x1;
	_ =	shalt  }
.Lfunc_end1:
_tile_overlayer_lowered:
.L_overlay_start_2:
0x43: {  	(tag) =	ssettag $0x2  }
0x44: {  	s0 =	rddreg [dreg:$0x0];
	s2 =	stileid.u32  }
0x45: {  	s1 =	rddreg [dreg:$0x1];
	p0 =	sne.s32 s2, $0x0  }
0x46: {  	s3 =	rddreg [dreg:$0x2];
	[bflag:$0x3] =	sbarrier.arrive $0xFFFF;
	s2 =	simm.s32 @!p0 $0x1C01  }
0x47: {  	[timem:s3], [sflag:s2] =	dma.local @!p0 [hbm:s0], s1  }
0x48: {  	s0 =	simm.s32 @!p0 $0x1  }
0x49: {  	_ =	swait.ge @!p0 [sflag:s0], s1  }
0x4a: {  	s1 =	ssub.s32 @!p0 $0x0, s1;
	[sflag:s0] =	ssyncset.done @!p0 $0x0  }
0x4b: {  	[sflag:s0] =	ssyncadd.s32 @!p0 s1  }
0x4c: {  	[bflag:$0x3] =	sbarrier.arrive $0xFFFF  }
0x4d: {  	_ =	shalt  }

</sc_bundles>
